<compile_context>
chip_gen: v7x
topology: tpu7x:2x2x1
jax: 0.10.2.dev20260603
libtpu: 0.0.44.dev20260713+nightly
codegen_flags: <defaults>
</compile_context>

<pallas_src>
import functools

import jax
import jax.numpy as jnp
from jax import lax
from jax.experimental import pallas as pl
from jax.experimental.pallas import tpu as pltpu
from jax.experimental.pallas import tpu_sc as plsc

_S = 8192
_D = 1024

_R_SC = 512
_R_TC = _S - _R_SC
_NC = 2
_NS = 16
_NW = _NC * _NS
_C = _R_SC // _NW

_mesh = plsc.VectorSubcoreMesh(core_axis_name="c", subcore_axis_name="s")


@functools.partial(
    pl.kernel,
    out_type=jax.ShapeDtypeStruct((_R_SC, _D), jnp.float32),
    mesh=_mesh,
    scratch_types=[
        pltpu.VMEM((1, _C), jnp.int32),
        pltpu.VMEM((_C, _D), jnp.float32),
        pltpu.VMEM((_C, _D), jnp.float32),
        pltpu.SemaphoreType.DMA,
    ],
)
def _posenc_sc(x_hbm, enc_hbm, out_hbm, idx_v, bufx, bufe, sem):
    wid = lax.axis_index("s") * _NC + lax.axis_index("c")
    obase = wid * _C
    wbase = _R_TC + obase
    idx_v[0, pl.ds(0, 16)] = wbase + lax.iota(jnp.int32, 16)

    cpx = pltpu.make_async_copy(x_hbm.at[pl.ds(wbase, _C)], bufx, sem)
    cpe = pltpu.make_async_copy(enc_hbm.at[idx_v.at[0]], bufe, sem)
    cpx.start()
    cpe.start()
    cpx.wait()
    cpe.wait()

    @pl.loop(0, _C)
    def _add_row(r):
        @pl.loop(0, _D, step=16, unroll=4)
        def _add_vec(c):
            s = pl.ds(c, 16)
            bufx[r, s] = bufx[r, s] + bufe[r, s]

    pltpu.sync_copy(bufx, out_hbm.at[pl.ds(obase, _C)])


_BLOCK_S = 960


def _add_block(x_ref, enc_ref, out_ref):
    out_ref[...] = x_ref[...] + enc_ref[...]


def _posenc_tc(x2, encoding):
    return pl.pallas_call(
        _add_block,
        grid=(_R_TC // _BLOCK_S,),
        in_specs=[
            pl.BlockSpec((_BLOCK_S, _D), lambda i: (i, 0)),
            pl.BlockSpec((_BLOCK_S, _D), lambda i: (i, 0)),
        ],
        out_specs=pl.BlockSpec((_BLOCK_S, _D), lambda i: (i, 0)),
        out_shape=jax.ShapeDtypeStruct((_S, _D), jnp.float32),
    )(x2, encoding)


def kernel(x, encoding):
    N, S, D = x.shape
    x2 = x.reshape(S, D)
    tc_out = _posenc_tc(x2, encoding)
    sc_out = _posenc_sc(x2, encoding)
    out = lax.dynamic_update_slice(tc_out, sc_out, (_R_TC, 0))
    return out.reshape(N, S, D)

# --- scband reference (transcript-rebuilt; emitter-appended) ---
"""Pipeline reference for scband-positional-encoding-18726057411022 (READ-ONLY COPY).

The authoritative reference and input builder live on the scoring server;
editing this copy changes nothing except your own understanding.
"""

import jax, jax.numpy as jnp
import numpy as np

MAX_LEN = 8192
EMBED_DIM = 1024

def setup_inputs(seed: int = 0) -> dict:
    key = jax.random.key(seed)
    k1, k2 = jax.random.split(key)
    x = jax.random.normal(k1, (1, 8192, 1024), dtype=jnp.float32)
    encoding = jax.random.normal(k2, (MAX_LEN, EMBED_DIM), dtype=jnp.float32) * 0.02
    return {"x": x, "encoding": encoding}

def reference(x, encoding):
    # Faithful translation of PositionalEncoding.forward (eval mode: dropout is identity).
    N, S, D = x.shape
    idx = jnp.arange(0, S)[None, :]                      # [1, S]
    idx = jnp.concatenate([idx] * N, axis=1)             # [1, N*S]  (module's quirky cat on dim=1)
    enc_weights = jnp.take(encoding, idx, axis=0)        # [1, N*S, D] embedding gather
    output = x + enc_weights                             # broadcasts correctly since N == 1
    return output

if __name__ == "__main__":
    import jax
    _d = setup_inputs()
    print(jax.jit(kernel)(*tuple(_d.values())))

</pallas_src>

<mosaic_0001>
#map = affine_map<(d0, d1) -> (0, 0)>
module attributes {stable_mosaic.version = 14 : i64} {
  func.func @_posenc_sc(%arg0: i32, %arg1: i32, %arg2: memref<8192x1024xf32, #tpu.memory_space<hbm>>, %arg3: memref<8192x1024xf32, #tpu.memory_space<hbm>>, %arg4: memref<512x1024xf32, #tpu.memory_space<hbm>>, %arg5: memref<1x16xi32, #tpu.memory_space<vmem>>, %arg6: memref<16x1024xf32, #tpu.memory_space<vmem>>, %arg7: memref<16x1024xf32, #tpu.memory_space<vmem>>, %arg8: memref<!tpu.dma_semaphore, #tpu.memory_space<semaphore_mem>>) attributes {dimension_semantics = [#tpu.dimension_semantics<core_parallel>, #tpu.dimension_semantics<subcore_parallel>], iteration_bounds = array<i64: 2, 16>, scalar_prefetch = 0 : i64, scratch_operands = 4 : i64, tpu.core_type = #tpu.core_type<sc_vector_subcore>, window_params = [{transform_indices = #map}, {transform_indices = #map}, {transform_indices = #map}]} {
    %mul3A = arith.constant 2 : i32
    %mul3A_0 = arith.muli %arg1, %mul3A : i32
    %add3A = arith.addi %mul3A_0, %arg0 : i32
    %mul3A_1 = arith.constant 16 : i32
    %mul3A_2 = arith.muli %add3A, %mul3A_1 : i32
    %add3A_3 = arith.constant 7680 : i32
    %add3A_4 = arith.addi %add3A_3, %mul3A_2 : i32
    %iota3A = tpu.iota {dimensions = array<i32: 0>} : vector<16xi32>
    %add3A_5 = vector.broadcast %add3A_4 : i32 to vector<16xi32>
    %add3A_6 = arith.addi %add3A_5, %iota3A : vector<16xi32>
    %swap3A = arith.constant 0 : i32
    %swap3A_7 = arith.index_cast %swap3A : i32 to index
    %swap3A_8 = arith.constant 0 : index
    %swap3A_9 = tpu.vector_load %arg5[%swap3A_7, %swap3A_8] {strides = array<i32>} : memref<1x16xi32, #tpu.memory_space<vmem>>, vector<1x16xi32>,
    %swap3A_10 = vector.shape_cast %swap3A_9 : vector<1x16xi32> to vector<16xi32>
    %swap3A_11 = vector.shape_cast %add3A_6 : vector<16xi32> to vector<1x16xi32>
    tpu.vector_store %arg5[%swap3A_7, %swap3A_8], %swap3A_11 {strides = array<i32>} : memref<1x16xi32, #tpu.memory_space<vmem>>, vector<1x16xi32>,
    %dma_start3A = arith.constant 0 : i32
    %dma_start3A_12 = tpu.memref_slice %arg2[%add3A_4, %dma_start3A] : memref<8192x1024xf32, #tpu.memory_space<hbm>> -> memref<16x1024xf32, #tpu.memory_space<hbm>>
    %dma_start3A_13 = arith.constant 0 : i32
    %dma_start3A_14 = tpu.memref_slice %arg2[%add3A_4, %dma_start3A_13] : memref<8192x1024xf32, #tpu.memory_space<hbm>> -> memref<16x1024xf32, #tpu.memory_space<hbm>>
    tpu.enqueue_dma source(%dma_start3A_14 : memref<16x1024xf32, #tpu.memory_space<hbm>>) target(%arg6 : memref<16x1024xf32, #tpu.memory_space<vmem>>) target_semaphore(%arg8 : memref<!tpu.dma_semaphore, #tpu.memory_space<semaphore_mem>>)
    %dma_start3A_15 = arith.constant 0 : i32
    %dma_start3A_16 = arith.constant 0 : i32
    %dma_start3A_17 = tpu.memref_slice %arg5[%dma_start3A_15, %dma_start3A_16] : memref<1x16xi32, #tpu.memory_space<vmem>> -> memref<1x16xi32, #tpu.memory_space<vmem>>
    %dma_start3A_18 = tpu.memref_squeeze %dma_start3A_17 : memref<1x16xi32, #tpu.memory_space<vmem>> -> memref<16xi32, #tpu.memory_space<vmem>>
    %dma_start3A_19 = arith.constant 0 : i32
    %dma_start3A_20 = arith.constant 0 : i32
    %dma_start3A_21 = tpu.memref_slice %arg3[%dma_start3A_19, %dma_start3A_20] : memref<8192x1024xf32, #tpu.memory_space<hbm>> -> memref<8192x1024xf32, #tpu.memory_space<hbm>>
    tpu.enqueue_indirect_dma source(%dma_start3A_21 : memref<8192x1024xf32, #tpu.memory_space<hbm>>) target(%arg7 : memref<16x1024xf32, #tpu.memory_space<vmem>>) offsets(%dma_start3A_18 : memref<16xi32, #tpu.memory_space<vmem>>) semaphore(%arg8 : memref<!tpu.dma_semaphore, #tpu.memory_space<semaphore_mem>>)
    %dma_wait3A = arith.constant 0 : i32
    %dma_wait3A_22 = tpu.memref_slice %arg2[%add3A_4, %dma_wait3A] : memref<8192x1024xf32, #tpu.memory_space<hbm>> -> memref<16x1024xf32, #tpu.memory_space<hbm>>
    %dma_wait3A_23 = arith.constant 0 : i32
    %dma_wait3A_24 = tpu.memref_slice %arg2[%add3A_4, %dma_wait3A_23] : memref<8192x1024xf32, #tpu.memory_space<hbm>> -> memref<16x1024xf32, #tpu.memory_space<hbm>>
    tpu.wait_dma2 semaphore(%arg8 : memref<!tpu.dma_semaphore, #tpu.memory_space<semaphore_mem>>) src(%dma_wait3A_24 : memref<16x1024xf32, #tpu.memory_space<hbm>>) dst(%arg6 : memref<16x1024xf32, #tpu.memory_space<vmem>>)
    %dma_wait3A_25 = arith.constant 0 : i32
    %dma_wait3A_26 = arith.constant 0 : i32
    %dma_wait3A_27 = tpu.memref_slice %arg5[%dma_wait3A_25, %dma_wait3A_26] : memref<1x16xi32, #tpu.memory_space<vmem>> -> memref<1x16xi32, #tpu.memory_space<vmem>>
    %dma_wait3A_28 = tpu.memref_squeeze %dma_wait3A_27 : memref<1x16xi32, #tpu.memory_space<vmem>> -> memref<16xi32, #tpu.memory_space<vmem>>
    %dma_wait3A_29 = arith.constant 0 : i32
    %dma_wait3A_30 = arith.constant 0 : i32
    %dma_wait3A_31 = tpu.memref_slice %arg3[%dma_wait3A_29, %dma_wait3A_30] : memref<8192x1024xf32, #tpu.memory_space<hbm>> -> memref<8192x1024xf32, #tpu.memory_space<hbm>>
    tpu.wait_indirect_dma semaphore(%arg8 : memref<!tpu.dma_semaphore, #tpu.memory_space<semaphore_mem>>) src(%dma_wait3A_31 : memref<8192x1024xf32, #tpu.memory_space<hbm>>) dst(%arg7 : memref<16x1024xf32, #tpu.memory_space<vmem>>)
    %scan3A = arith.constant 0 : i32
    %scan3A_32 = arith.constant 16 : i32
    %scan3A_33 = arith.addi %scan3A, %scan3A_32 : i32
    %scan3A_34 = arith.constant 1 : i32
    scf.for %scan3A_36 = %scan3A to %scan3A_33 step %scan3A_34  : i32 {
      %mul3A_37 = arith.constant 1 : i32
      %mul3A_38 = arith.muli %scan3A_36, %mul3A_37 : i32
      %add3A_39 = arith.constant 0 : i32
      %add3A_40 = arith.addi %add3A_39, %mul3A_38 : i32
      %scan3A_41 = arith.constant 0 : i32
      %scan3A_42 = arith.constant 64 : i32
      %scan3A_43 = arith.addi %scan3A_41, %scan3A_42 : i32
      %scan3A_44 = arith.constant 4 : i32
      scf.for %scan3A_46 = %scan3A_41 to %scan3A_43 step %scan3A_44  : i32 {
        %mul3A_47 = arith.constant 16 : i32
        %mul3A_48 = arith.muli %scan3A_46, %mul3A_47 : i32
        %add3A_49 = arith.constant 0 : i32
        %add3A_50 = arith.addi %add3A_49, %mul3A_48 : i32
        %get3A = arith.index_cast %add3A_40 : i32 to index
        %get3A_51 = arith.index_cast %add3A_50 : i32 to index
        %get3A_52 = tpu.vector_load %arg6[%get3A, %get3A_51] {strides = array<i32>} : memref<16x1024xf32, #tpu.memory_space<vmem>>, vector<1x16xf32>,
        %get3A_53 = vector.shape_cast %get3A_52 : vector<1x16xf32> to vector<16xf32>
        %get3A_54 = arith.index_cast %add3A_40 : i32 to index
        %get3A_55 = arith.index_cast %add3A_50 : i32 to index
        %get3A_56 = tpu.vector_load %arg7[%get3A_54, %get3A_55] {strides = array<i32>} : memref<16x1024xf32, #tpu.memory_space<vmem>>, vector<1x16xf32>,
        %get3A_57 = vector.shape_cast %get3A_56 : vector<1x16xf32> to vector<16xf32>
        %add3A_58 = arith.addf %get3A_53, %get3A_57 : vector<16xf32>
        %swap3A_59 = arith.index_cast %add3A_40 : i32 to index
        %swap3A_60 = arith.index_cast %add3A_50 : i32 to index
        %swap3A_61 = tpu.vector_load %arg6[%swap3A_59, %swap3A_60] {strides = array<i32>} : memref<16x1024xf32, #tpu.memory_space<vmem>>, vector<1x16xf32>,
        %swap3A_62 = vector.shape_cast %swap3A_61 : vector<1x16xf32> to vector<16xf32>
        %swap3A_63 = vector.shape_cast %add3A_58 : vector<16xf32> to vector<1x16xf32>
        tpu.vector_store %arg6[%swap3A_59, %swap3A_60], %swap3A_63 {strides = array<i32>} : memref<16x1024xf32, #tpu.memory_space<vmem>>, vector<1x16xf32>,
        %scan3A_64 = arith.constant 1 : i32
        %scan3A_65 = arith.addi %scan3A_46, %scan3A_64 : i32
        %mul3A_66 = arith.constant 16 : i32
        %mul3A_67 = arith.muli %scan3A_65, %mul3A_66 : i32
        %add3A_68 = arith.constant 0 : i32
        %add3A_69 = arith.addi %add3A_68, %mul3A_67 : i32
        %get3A_70 = arith.index_cast %add3A_40 : i32 to index
        %get3A_71 = arith.index_cast %add3A_69 : i32 to index
        %get3A_72 = tpu.vector_load %arg6[%get3A_70, %get3A_71] {strides = array<i32>} : memref<16x1024xf32, #tpu.memory_space<vmem>>, vector<1x16xf32>,
        %get3A_73 = vector.shape_cast %get3A_72 : vector<1x16xf32> to vector<16xf32>
        %get3A_74 = arith.index_cast %add3A_40 : i32 to index
        %get3A_75 = arith.index_cast %add3A_69 : i32 to index
        %get3A_76 = tpu.vector_load %arg7[%get3A_74, %get3A_75] {strides = array<i32>} : memref<16x1024xf32, #tpu.memory_space<vmem>>, vector<1x16xf32>,
        %get3A_77 = vector.shape_cast %get3A_76 : vector<1x16xf32> to vector<16xf32>
        %add3A_78 = arith.addf %get3A_73, %get3A_77 : vector<16xf32>
        %swap3A_79 = arith.index_cast %add3A_40 : i32 to index
        %swap3A_80 = arith.index_cast %add3A_69 : i32 to index
        %swap3A_81 = tpu.vector_load %arg6[%swap3A_79, %swap3A_80] {strides = array<i32>} : memref<16x1024xf32, #tpu.memory_space<vmem>>, vector<1x16xf32>,
        %swap3A_82 = vector.shape_cast %swap3A_81 : vector<1x16xf32> to vector<16xf32>
        %swap3A_83 = vector.shape_cast %add3A_78 : vector<16xf32> to vector<1x16xf32>
        tpu.vector_store %arg6[%swap3A_79, %swap3A_80], %swap3A_83 {strides = array<i32>} : memref<16x1024xf32, #tpu.memory_space<vmem>>, vector<1x16xf32>,
        %scan3A_84 = arith.constant 2 : i32
        %scan3A_85 = arith.addi %scan3A_46, %scan3A_84 : i32
        %mul3A_86 = arith.constant 16 : i32
        %mul3A_87 = arith.muli %scan3A_85, %mul3A_86 : i32
        %add3A_88 = arith.constant 0 : i32
        %add3A_89 = arith.addi %add3A_88, %mul3A_87 : i32
        %get3A_90 = arith.index_cast %add3A_40 : i32 to index
        %get3A_91 = arith.index_cast %add3A_89 : i32 to index
        %get3A_92 = tpu.vector_load %arg6[%get3A_90, %get3A_91] {strides = array<i32>} : memref<16x1024xf32, #tpu.memory_space<vmem>>, vector<1x16xf32>,
        %get3A_93 = vector.shape_cast %get3A_92 : vector<1x16xf32> to vector<16xf32>
        %get3A_94 = arith.index_cast %add3A_40 : i32 to index
        %get3A_95 = arith.index_cast %add3A_89 : i32 to index
        %get3A_96 = tpu.vector_load %arg7[%get3A_94, %get3A_95] {strides = array<i32>} : memref<16x1024xf32, #tpu.memory_space<vmem>>, vector<1x16xf32>,
        %get3A_97 = vector.shape_cast %get3A_96 : vector<1x16xf32> to vector<16xf32>
        %add3A_98 = arith.addf %get3A_93, %get3A_97 : vector<16xf32>
        %swap3A_99 = arith.index_cast %add3A_40 : i32 to index
        %swap3A_100 = arith.index_cast %add3A_89 : i32 to index
        %swap3A_101 = tpu.vector_load %arg6[%swap3A_99, %swap3A_100] {strides = array<i32>} : memref<16x1024xf32, #tpu.memory_space<vmem>>, vector<1x16xf32>,
        %swap3A_102 = vector.shape_cast %swap3A_101 : vector<1x16xf32> to vector<16xf32>
        %swap3A_103 = vector.shape_cast %add3A_98 : vector<16xf32> to vector<1x16xf32>
        tpu.vector_store %arg6[%swap3A_99, %swap3A_100], %swap3A_103 {strides = array<i32>} : memref<16x1024xf32, #tpu.memory_space<vmem>>, vector<1x16xf32>,
        %scan3A_104 = arith.constant 3 : i32
        %scan3A_105 = arith.addi %scan3A_46, %scan3A_104 : i32
        %mul3A_106 = arith.constant 16 : i32
        %mul3A_107 = arith.muli %scan3A_105, %mul3A_106 : i32
        %add3A_108 = arith.constant 0 : i32
        %add3A_109 = arith.addi %add3A_108, %mul3A_107 : i32
        %get3A_110 = arith.index_cast %add3A_40 : i32 to index
        %get3A_111 = arith.index_cast %add3A_109 : i32 to index
        %get3A_112 = tpu.vector_load %arg6[%get3A_110, %get3A_111] {strides = array<i32>} : memref<16x1024xf32, #tpu.memory_space<vmem>>, vector<1x16xf32>,
        %get3A_113 = vector.shape_cast %get3A_112 : vector<1x16xf32> to vector<16xf32>
        %get3A_114 = arith.index_cast %add3A_40 : i32 to index
        %get3A_115 = arith.index_cast %add3A_109 : i32 to index
        %get3A_116 = tpu.vector_load %arg7[%get3A_114, %get3A_115] {strides = array<i32>} : memref<16x1024xf32, #tpu.memory_space<vmem>>, vector<1x16xf32>,
        %get3A_117 = vector.shape_cast %get3A_116 : vector<1x16xf32> to vector<16xf32>
        %add3A_118 = arith.addf %get3A_113, %get3A_117 : vector<16xf32>
        %swap3A_119 = arith.index_cast %add3A_40 : i32 to index
        %swap3A_120 = arith.index_cast %add3A_109 : i32 to index
        %swap3A_121 = tpu.vector_load %arg6[%swap3A_119, %swap3A_120] {strides = array<i32>} : memref<16x1024xf32, #tpu.memory_space<vmem>>, vector<1x16xf32>,
        %swap3A_122 = vector.shape_cast %swap3A_121 : vector<1x16xf32> to vector<16xf32>
        %swap3A_123 = vector.shape_cast %add3A_118 : vector<16xf32> to vector<1x16xf32>
        tpu.vector_store %arg6[%swap3A_119, %swap3A_120], %swap3A_123 {strides = array<i32>} : memref<16x1024xf32, #tpu.memory_space<vmem>>, vector<1x16xf32>,
      }
      %scan3A_45 = arith.constant 64 : i32
    }
    %scan3A_35 = arith.constant 16 : i32
    "tpu.region"() ({
      %run_scoped3A = tpu.sem_alloc : memref<!tpu.dma_semaphore, #tpu.memory_space<semaphore_mem>>
      %dma_start3A_36 = arith.constant 0 : i32
      %dma_start3A_37 = tpu.memref_slice %arg4[%mul3A_2, %dma_start3A_36] : memref<512x1024xf32, #tpu.memory_space<hbm>> -> memref<16x1024xf32, #tpu.memory_space<hbm>>
      %dma_start3A_38 = arith.constant 0 : i32
      %dma_start3A_39 = tpu.memref_slice %arg4[%mul3A_2, %dma_start3A_38] : memref<512x1024xf32, #tpu.memory_space<hbm>> -> memref<16x1024xf32, #tpu.memory_space<hbm>>
      tpu.enqueue_dma source(%arg6 : memref<16x1024xf32, #tpu.memory_space<vmem>>) target(%dma_start3A_39 : memref<16x1024xf32, #tpu.memory_space<hbm>>) target_semaphore(%run_scoped3A : memref<!tpu.dma_semaphore, #tpu.memory_space<semaphore_mem>>)
      %dma_wait3A_40 = arith.constant 0 : i32
      %dma_wait3A_41 = tpu.memref_slice %arg4[%mul3A_2, %dma_wait3A_40] : memref<512x1024xf32, #tpu.memory_space<hbm>> -> memref<16x1024xf32, #tpu.memory_space<hbm>>
      %dma_wait3A_42 = arith.constant 0 : i32
      %dma_wait3A_43 = tpu.memref_slice %arg4[%mul3A_2, %dma_wait3A_42] : memref<512x1024xf32, #tpu.memory_space<hbm>> -> memref<16x1024xf32, #tpu.memory_space<hbm>>
      tpu.wait_dma2 semaphore(%run_scoped3A : memref<!tpu.dma_semaphore, #tpu.memory_space<semaphore_mem>>) src(%arg6 : memref<16x1024xf32, #tpu.memory_space<vmem>>) dst(%dma_wait3A_43 : memref<16x1024xf32, #tpu.memory_space<hbm>>)
      tpu.yield
    }) : () -> ()
    return
  }
}

module attributes {stable_mosaic.version = 14 : i64} {
  func.func @_add_block(%arg0: i32, %arg1: memref<960x1024xf32, #tpu.memory_space<vmem>>, %arg2: memref<960x1024xf32, #tpu.memory_space<vmem>>, %arg3: memref<960x1024xf32, #tpu.memory_space<vmem>>) attributes {dimension_semantics = [#tpu.dimension_semantics<arbitrary>], iteration_bounds = array<i64: 8>, scalar_prefetch = 0 : i64, scratch_operands = 0 : i64, tpu.core_type = #tpu.core_type<tc>, window_params = [{transform_indices = @transform_0, window_bounds = array<i64: 960, 1024>}, {transform_indices = @transform_1, window_bounds = array<i64: 960, 1024>}, {transform_indices = @transform_2, window_bounds = array<i64: 960, 1024>}]} {
    %get3A = arith.constant 0 : index
    %get3A_0 = arith.constant 0 : index
    %get3A_1 = vector.load %arg1[%get3A, %get3A_0] : memref<960x1024xf32, #tpu.memory_space<vmem>>, vector<960x1024xf32>
    %get3A_2 = arith.constant 0 : index
    %get3A_3 = arith.constant 0 : index
    %get3A_4 = vector.load %arg2[%get3A_2, %get3A_3] : memref<960x1024xf32, #tpu.memory_space<vmem>>, vector<960x1024xf32>
    %add3A = arith.addf %get3A_1, %get3A_4 : vector<960x1024xf32>
    %swap3A = arith.constant 0 : index
    %swap3A_5 = arith.constant 0 : index
    %swap3A_6 = vector.load %arg3[%swap3A, %swap3A_5] : memref<960x1024xf32, #tpu.memory_space<vmem>>, vector<960x1024xf32>
    tpu.vector_store %arg3[%swap3A, %swap3A_5], %add3A {strides = array<i32>} : memref<960x1024xf32, #tpu.memory_space<vmem>>, vector<960x1024xf32>,
    return
  }
  func.func @transform_0(%arg0: i32) -> (i32, i32) {
    %c0_i32 = arith.constant 0 : i32
    %c0_i32_0 = arith.constant 0 : i32
    return %arg0, %c0_i32 : i32, i32
  }
  func.func @transform_1(%arg0: i32) -> (i32, i32) {
    %c0_i32 = arith.constant 0 : i32
    %c0_i32_0 = arith.constant 0 : i32
    return %arg0, %c0_i32 : i32, i32
  }
  func.func @transform_2(%arg0: i32) -> (i32, i32) {
    %c0_i32 = arith.constant 0 : i32
    %c0_i32_0 = arith.constant 0 : i32
    return %arg0, %c0_i32 : i32, i32
  }
}

</mosaic_0001>

<sc_bundles>
// kernel: kernel.4.cloned.1.call-start
scs
__scs_entry_jumppad:
0x0: {  	(pc) =	sbr.rel $0x88, $3  }
0x1: {  	(tag) =	ssettag $0x0;
	lr =	simm.s32 $0x1  }
0x2: {  	[smem:$0x3F9F] =	sst lr;
	_ =	strace $0xD0000000  }
0x3: {  	_ = 	snop  }
0x4: {  	_ = 	snop  }
0x5: {  	_ = 	snop  }
0x6: {  	_ = 	snop  }
0x7: {  	_ = 	snop  }
__scs_overlays_trampoline_lowered:
0x8: {  	[smem:$0x3FAE] =	sst s0  }
0x9: {  	[smem:$0x3FAF] =	sst s1  }
0xa: {  	[smem:$0x3FB0] =	sst s2  }
0xb: {  	[smem:$0x3FB1] =	sst s3  }
0xc: {  	[smem:$0x3FB2] =	sst s4  }
0xd: {  	[smem:$0x3FB3] =	sst s5  }
0xe: {  	[smem:$0x3FB4] =	sst s6  }
0xf: {  	[smem:$0x3FB5] =	sst s7  }
0x10: {  	[smem:$0x3FB6] =	sst s8  }
0x11: {  	[smem:$0x3FB7] =	sst s9;
	s0 =	simm.s32 @!p0 $0x0  }
0x12: {  	s1 =	sld [smem:$0x3F9D];
	s0 =	simm.s32 @p0 $0x1  }
0x13: {  	[smem:$0x3FB8] =	sst s0;
	s0 =	simm.s32 @!p1 $0x0  }
0x14: {  	s2 =	sld [smem:$0x3F9C];
	s0 =	simm.s32 @p1 $0x1  }
0x15: {  	[smem:$0x3FB9] =	sst s0;
	s0 =	simm.s32 @!p2 $0x0  }
0x16: {  	s3 =	sld [smem:$0x3FDB];
	s0 =	simm.s32 @p2 $0x1  }
0x17: {  	s4 =	simm.s32 $0x1BF5;
	[smem:$0x3FBB] =	sst s0  }
0x18: {  	s0 =	sld [smem:$0x3F9E];
	_ =	swait.ge [sflag:s4], $0x0  }
0x19: {  	s7 =	sld [smem:$0x3F9F]  }
0x1a: {  	s8 =	sadd.s32 $0xFFFFE003, lr  }
0x1b: {  	s9 =	sadd.s32 $0xFFFFFEF7, lr;
	s5 =	simm.s32 $0xFFFFFFFF;
	p2 =	slt.u32 s8, $0xFFFFF086  }
0x1c: {  	p1 =	slt.u32 s9, $0xF7A;
	s5 =	simm.s32 @!p2 $0x0  }
0x1d: {  	s5 =	simm.s32 @p1 $0x1;
	p0 =	seq.s32 s7, s2  }
0x1e: {  	s7 =	smul.u32 @!p0 $0xF7A, s2;
	p2 =	seq.s32 @!p0 s5, $0x0  }
0x1f: {  	s9 =	smul.u32 $0xF7A, s1;
	s8 =	simm.s32 @!p0 $0x1BF5;
	p2 =	por !p2, p0  }
0x20: {  	[sflag:s8] =	ssyncset.s32 @!p0 $0xFFFFF086;
	s6 =	sadd.s32 @!p0 s3, s7;
	s7 =	simm.s32 @!p0 $0x108  }
0x21: {  	s3 =	sadd.s32 s3, s9;
	s6 =	sadd.s32 @!p0 $0x88, s6;
	s7 =	simm.s32 @p2 $0x1082  }
0x22: {  	[simem:s7], [sflag:s8] =	dma.local @!p0 [hbm:s6], $0xF7A  }
0x23: {  	s9 =	sor.u32 $0xD0000000, s2;
	s6 =	simm.s32 $0x108;
	_ =	swait.ge @!p0 [sflag:s8], $0x0  }
0x24: {  	s3 =	sadd.s32 $0x88, s3;
	s6 =	simm.s32 @!p1 $0x1082;
	[sflag:s4] =	ssyncset.s32 $0xFFFFF086  }
0x25: {  	[simem:s6], [sflag:s4] =	dma.local [hbm:s3], $0xF7A  }
0x26: {  	[smem:$0x3F9F] =	sst s1;
	(tag) =	ssettag s2;
	_ =	strace s9  }
0x27: {  	s1 =	sld [smem:$0x3FAF]  }
0x28: {  	s2 =	sld [smem:$0x3FB0]  }
0x29: {  	s4 =	sld [smem:$0x3FB2]  }
0x2a: {  	p0 =	seq.s32 s5, $0x0;
	s5 =	sld [smem:$0x3FB3]  }
0x2b: {  	s6 =	sld [smem:$0x3FB4]  }
0x2c: {  	s7 =	sld [smem:$0x3FB5]  }
0x2d: {  	s3 =	simm.s32 $0x108;
	s8 =	sld [smem:$0x3FB6]  }
0x2e: {  	s3 =	simm.s32 @!p0 $0x1082;
	s9 =	sld [smem:$0x3FB7]  }
0x2f: {  	lr =	sadd.s32 s0, s3;
	s0 =	sld [smem:$0x3FAE]  }
0x30: {  	s3 =	sld [smem:$0x3FB1]  }
0x31: {  	[smem:$0x3FBA] =	sst s10  }
0x32: {  	s10 =	sld [smem:$0x3FB8];
	_ =	sdelay $0x3  }
0x33: {  	p0 =	seq.s32 s10, $0x1;
	s10 =	sld [smem:$0x3FBA];
	_ =	sdelay $0x3  }
0x34: {  	[smem:$0x3FBA] =	sst s10  }
0x35: {  	s10 =	sld [smem:$0x3FB9];
	_ =	sdelay $0x3  }
0x36: {  	p1 =	seq.s32 s10, $0x1;
	s10 =	sld [smem:$0x3FBA];
	_ =	sdelay $0x3  }
0x37: {  	[smem:$0x3FBA] =	sst s10  }
0x38: {  	s10 =	sld [smem:$0x3FBB]  }
0x39: {  	_ = 	snop;
	(pc) =	sbr.ind lr, $3  }
0x3a: {  	_ = 	snop  }
0x3b: {  	_ = 	snop  }
0x3c: {  	p2 =	seq.s32 s10, $0x1;
	s10 =	sld [smem:$0x3FBA]  }
0x3d: {  	_ =	shalt  }
0x3e: {  	_ =	shalt  }
0x3f: {  	_ =	shalt  }
0x40: {  	_ =	shalt  }
0x41: {  	_ =	shalt  }
0x42: {  	_ =	shalt  }
0x43: {  	_ =	shalt  }
0x44: {  	_ =	shalt  }
0x45: {  	_ =	shalt  }
0x46: {  	_ =	shalt  }
0x47: {  	_ =	shalt  }
0x48: {  	_ =	shalt  }
0x49: {  	_ =	shalt  }
0x4a: {  	_ =	shalt  }
0x4b: {  	_ =	shalt  }
0x4c: {  	_ =	shalt  }
0x4d: {  	_ =	shalt  }
0x4e: {  	_ =	shalt  }
0x4f: {  	_ =	shalt  }
0x50: {  	_ =	shalt  }
0x51: {  	_ =	shalt  }
0x52: {  	_ =	shalt  }
0x53: {  	_ =	shalt  }
0x54: {  	_ =	shalt  }
0x55: {  	_ =	shalt  }
0x56: {  	_ =	shalt  }
0x57: {  	_ =	shalt  }
0x58: {  	_ =	shalt  }
0x59: {  	_ =	shalt  }
0x5a: {  	_ =	shalt  }
0x5b: {  	_ =	shalt  }
0x5c: {  	_ =	shalt  }
0x5d: {  	_ =	shalt  }
0x5e: {  	_ =	shalt  }
0x5f: {  	_ =	shalt  }
0x60: {  	_ =	shalt  }
0x61: {  	_ =	shalt  }
0x62: {  	_ =	shalt  }
0x63: {  	_ =	shalt  }
0x64: {  	_ =	shalt  }
0x65: {  	_ =	shalt  }
0x66: {  	_ =	shalt  }
0x67: {  	_ =	shalt  }
0x68: {  	_ =	shalt  }
0x69: {  	_ =	shalt  }
0x6a: {  	_ =	shalt  }
0x6b: {  	_ =	shalt  }
0x6c: {  	_ =	shalt  }
0x6d: {  	_ =	shalt  }
0x6e: {  	_ =	shalt  }
0x6f: {  	_ =	shalt  }
0x70: {  	_ =	shalt  }
0x71: {  	_ =	shalt  }
0x72: {  	_ =	shalt  }
0x73: {  	_ =	shalt  }
0x74: {  	_ =	shalt  }
0x75: {  	_ =	shalt  }
0x76: {  	_ =	shalt  }
0x77: {  	_ =	shalt  }
0x78: {  	_ =	shalt  }
0x79: {  	_ =	shalt  }
0x7a: {  	_ =	shalt  }
0x7b: {  	_ =	shalt  }
0x7c: {  	_ =	shalt  }
0x7d: {  	_ =	shalt  }
0x7e: {  	_ =	shalt  }
0x7f: {  	_ =	shalt  }
0x80: {  	_ =	shalt  }
0x81: {  	_ =	shalt  }
0x82: {  	_ =	shalt  }
0x83: {  	_ =	shalt  }
0x84: {  	_ =	shalt  }
0x85: {  	_ =	shalt  }
0x86: {  	_ =	shalt  }
0x87: {  	_ =	shalt  }
.Lfunc_end0:
.L_simem_size_0:
called_computation_lowered:
.L_overlay_start_0:
0x88: {  	s2 =	sld [smem:$0x3FD9]  }
0x89: {  	s3 =	sld [smem:$0x3FFE];
	_ =	sdelay $0x1  }
0x8a: {  	s1 =	srdreg.scid  }
0x8b: {  	s0 =	sand.u32 $0x1, s1  }
0x8c: {  	s17 =	sshll.u32 s0, $0xA;
	s2 =	sadd.s32 s3, s2  }
0x8d: {  	s2 =	sadd.s32 s2, s17  }
0x8e: {  	[smem:$0x3FC6] =	sst s2  }
0x8f: {  	_ = 	snop  }
0x90: {  	s2 =	sld [smem:$0x3FC9]  }
0x91: {  	s18 =	sld [smem:$0x3FC8];
	(tm) =	ssettm $0x1  }
0x92: {  	s4 =	sld [smem:$0x3FFB];
	_ =	sdelay $0x3  }
0x93: {  	_ =	strace s4  }
0x94: {  	s4 =	sld [smem:$0x3FFC];
	_ =	sdelay $0x3  }
0x95: {  	_ =	strace s4  }
0x96: {  	s4 =	sld [smem:$0x3FFD];
	_ =	sdelay $0x3  }
0x97: {  	_ =	strace s4  }
0x98: {  	_ =	strace $0x8FFFFFFF  }
0x99: {  	s19 =	sld [smem:$0x3FDB];
	_ =	sdelay $0x1  }
0x9a: {  	s5 =	simm.s32 $_scs_section_size  }
0x9b: {  	s6 =	simm.s32 $_size__tile_overlayer_lowered;
	s7 =	simm.s32 $_tile_overlayer_lowered  }
0x9c: {  	s22 =	simm.s32 $0x1BFF;
	s21 =	sshll.u32 s7, $0x1;
	s4 =	sadd.s32 s5, s19  }
0x9d: {  	s8 =	simm.s32 $0x0;
	s20 =	sshll.u32 s6, $0x1;
	s6 =	sadd.s32 s21, s4  }
0x9e: {  	[timem:s8], [sflag:s22] =	dma.local [hbm:s6], s20  }
0x9f: {  	_ =	swait.ge [sflag:s22], s20  }
0xa0: {  	s5 =	ssub.s32 $0x0, s20;
	[sflag:s22] =	ssyncset.done $0x0  }
0xa1: {  	[sflag:s22] =	ssyncadd.s32 s5;
	_ =	sdelay $0x1  }
0xa2: {  	s23 =	simm.s32 $0x1B8B  }
0xa3: {  	_ =	swait.ge [sflag:s23], $0x1  }
0xa4: {  	[sflag:s23] =	ssyncset.done $0x0  }
0xa5: {  	s25 =	simm.s32 $0x1B8E;
	s24 =	sld [smem:$0x3FFE];
	[sflag:s23] =	ssyncadd.s32 $0xFFFFFFFF  }
0xa6: {  	s26 =	simm.s32 $execute0_lowered;
	[smem:$0x3FD2] =	sst s25  }
0xa7: {  	s6 =	sshll.u32 s26, $0x1;
	_ =	strace $0x80000046;
	[dreg:$0x1] =	wrdreg $0xFFFFFFFF  }
0xa8: {  	s28 =	simm.s32 $_size_execute0_lowered;
	s4 =	sadd.s32 s4, s6;
	[dreg:$0x0] =	wrdreg $0x0  }
0xa9: {  	s6 =	sshll.u32 s28, $0x1;
	[dreg:$0x2] =	wrdreg s4  }
0xaa: {  	[dreg:$0x3] =	wrdreg s6  }
0xab: {  	[dreg:$0x4] =	wrdreg $0xC0  }
0xac: {  	_ =	task [dreg:s8], $0x5FFFF  }
0xad: {  	[dreg:$0x1] =	wrdreg $0xFFFFFFFF  }
0xae: {  	[dreg:$0x0] =	wrdreg $0x60  }
0xaf: {  	[dreg:$0x2] =	wrdreg s2  }
0xb0: {  	[dreg:$0x3] =	wrdreg s18  }
0xb1: {  	[dreg:$0x4] =	wrdreg s24  }
0xb2: {  	[dreg:$0x5] =	wrdreg $0x9  }
0xb3: {  	_ =	task.clear_ibuf [dreg:s8], $0x6FFFF;
	_ =	strace $0x90000046  }
0xb4: {  	s29 =	simm.s32 $0x9;
	_ =	strace $0x80000048  }
0xb5: {  	_ =	swait.ge [sflag:s29], $0x1  }
0xb6: {  	[sflag:s29] =	ssyncadd.s32 $0xFFFFFFFF  }
0xb7: {  	_ =	strace $0x90000048  }
0xb8: {  	_ =	sfence  }
0xb9: {  	s30 =	sld [smem:$0x0];
	_ =	sdelay $0x2  }
0xba: {  	s31 =	sshll.u32 s1, $0xD;
	s1 =	sshrl.u32 s1, $0x2  }
0xbb: {  	s3 =	sand.u32 $0x4000, s31;
	s1 =	sadd.s32 s1, s30  }
0xbc: {  	s0 =	sor.u32 s3, s0;
	s1 =	sshll.u32 s1, $0x11  }
0xbd: {  	s0 =	sor.u32 s1, s0  }
0xbe: {  	s0 =	sadd.s32 $0x8F2B, s0  }
0xbf: {  	[sflag:s0] =	ssyncadd.remote.s32 $0x1  }
0xc0: {  	_ =	sfence.sel $0xFFFF  }
0xc1: {  	[dreg:$0x0] =	wrdreg $0xFFFFFFFF;
	(pc) =	sbr.abs _section_cstart, $3  }
0xc2: {  	[dreg:$0x1] =	wrdreg $0xFFFFFFFF  }
0xc3: {  	_ =	task.clear_ibuf [dreg:s8], $0x2FFFF;
	_ =	strace $0x9FFFFFFF  }
0xc4: {  	(tm) =	ssettm $0x7FFFFFFF  }
0xc5: {  	_ =	shalt  }
tec
execute0_lowered:
.L_overlay_start_1:
0x0: {  	(tag) =	ssettag $0x1  }
0x1: {  	s4 =	rddreg [dreg:$0x0]  }
0x2: {  	s1 =	rddreg [dreg:$0x1]  }
0x3: {  	s5 =	rddreg [dreg:$0x2]  }
0x4: {  	s0 =	rddreg [dreg:$0x3];
	s6 =	srdreg.scid  }
0x5: {  	s3 =	simm.s32 $0x0;
	s2 =	stileid.u32;
	s10 =	simm.s32 $0x80  }
0x6: {  	s11 =	simm.s32 $0x4080;
	s12 =	simm.s32 $0x4880;
	s13 =	simm.s32 $0x5080  }
0x7: {  	s14 =	simm.s32 $0x5880;
	s15 =	simm.s32 $0x6080;
	s17 =	simm.s32 $0x7080  }
0x8: {  	s18 =	simm.s32 $0x7880;
	s19 =	simm.s32 $0x1;
	s20 =	simm.s32 $0x2  }
0x9: {  	s21 =	simm.s32 $0x0;
	s6 =	sand.u32 $0x1, s6;
	[smem:$0x7FF] =	sst s3  }
0xa: {  	s7 =	sshll.u32 s2, $0x5;
	s8 =	sshll.u32 s6, $0x4;
	s6 =	ssub.s32 $0x2, s6  }
0xb: {  	_ =	strace $0x80000047;
	s7 =	sor.u32 s8, s7;
	s9 =	sshrl.u32 s6, $0x1  }
0xc: {  	s8 =	sshll.u32 s7, $0x7;
	s16 =	sor.u32 $0x1E00, s7;
	s9 =	ssub.s32 s6, s9  }
0xd: {  	v3 =	vlaneseq.u32;
	s6 =	sadd.s32 $0x200, s1;
	s7 =	sadd.s32 $0x300, s1;
	s8 =	sadd.s32 s8, s5  }
0xe: {  	vm0 =	vmmov $0xffff;
	v1 =	vand.u32 $0x7, v3;
	v2 =	vshrl.u32 v3, $0x3;
	s31 =	sshll.u32 s16, $0x7;
	s5 =	sadd.s32 $0x100, s1;
	s9 =	smax.u32 s9, $0x1  }
0xf: {  	v2 =	vmul.u32 $0x8, v2;
	v0 =	vor.u32 s16, v3;
	s16 =	simm.s32 $0x6880;
	v3 =	vor.u32 $0x8, v3;
	s4 =	sadd.s32 s4, s31;
	s8 =	sadd.s32 $0x400, s8  }
.LBB2_1:
0x10: {  	[tilespmem:$0x0] =	vst v0  }
0x11: {  	[tilespmem:s10], [sflag:$0x1] =	stream.linear.gather [hbm4b:s4+s3], $0x4000, $0x38;
	[tilespmem:$0x8080] =	vst v63  }
0x12: {  	v4 =	vld [tilespmem:$0x0];
	_ =	sdelay $0x4  }
0x13: {  	v5 =	vshll.u32 v4, $0x3  }
0x14: {  	v4 =	vand.u32 $0x7, v4;
	v5 =	vand.u32 $0xFFFFFFC0, v5  }
0x15: {  	v4 =	vor.u32 v4, v5  }
0x16: {  	v5 =	vperm.xlane v4, v1;
	_ =	sdelay $0x1  }
0x17: {  	v5 =	vadd.s32 v2, v5;
	_ =	sdelay $0x4  }
0x18: {  	[tilespmem:s11], [sflag:$0x1] =	stream.indirect_vreg.gather [hbm4b:s1+s3], $0x80, v5, vm0, $0xb8;
	[tilespmem:$0x8080] =	vst v63  }
0x19: {  	v4 =	vperm.xlane v4, v3  }
0x1a: {  	[tilespmem:s12], [sflag:$0x1] =	stream.indirect_vreg.gather [hbm4b:s5+s3], $0x80, v5, vm0, $0xb8;
	[tilespmem:$0x8080] =	vst v63  }
0x1b: {  	v4 =	vadd.s32 v2, v4  }
0x1c: {  	[tilespmem:s13], [sflag:$0x1] =	stream.indirect_vreg.gather [hbm4b:s6+s3], $0x80, v5, vm0, $0xb8;
	[tilespmem:$0x8080] =	vst v63  }
0x1d: {  	_ = 	snop  }
0x1e: {  	[tilespmem:s14], [sflag:$0x1] =	stream.indirect_vreg.gather [hbm4b:s7+s3], $0x80, v5, vm0, $0xb8;
	[tilespmem:$0x8080] =	vst v63  }
0x1f: {  	_ = 	snop  }
0x20: {  	[tilespmem:s15], [sflag:$0x1] =	stream.indirect_vreg.gather [hbm4b:s1+s3], $0x80, v4, vm0, $0xb8;
	[tilespmem:$0x8080] =	vst v63  }
0x21: {  	_ = 	snop  }
0x22: {  	[tilespmem:s16], [sflag:$0x1] =	stream.indirect_vreg.gather [hbm4b:s5+s3], $0x80, v4, vm0, $0xb8;
	[tilespmem:$0x8080] =	vst v63  }
0x23: {  	_ = 	snop  }
0x24: {  	[tilespmem:s17], [sflag:$0x1] =	stream.indirect_vreg.gather [hbm4b:s6+s3], $0x80, v4, vm0, $0xb8;
	[tilespmem:$0x8080] =	vst v63  }
0x25: {  	_ = 	snop  }
0x26: {  	[tilespmem:s18], [sflag:$0x1] =	stream.indirect_vreg.gather [hbm4b:s7+s3], $0x80, v4, vm0, $0xb8;
	[tilespmem:$0x8080] =	vst v63  }
0x27: {  	_ =	swait.ge [sflag:s19], $0x4000  }
0x28: {  	[sflag:s19] =	ssyncset.done $0x0  }
0x29: {  	[sflag:s19] =	ssyncadd.s32 $0xFFFFC000  }
0x2a: {  	_ =	swait.ge [sflag:s19], $0x4000  }
0x2b: {  	[sflag:s19] =	ssyncset.done $0x0  }
0x2c: {  	s22 =	simm.s32 $0x0;
	[sflag:s19] =	ssyncadd.s32 $0xFFFFC000  }
.LBB2_2:
0x2d: {  	s23 =	sshll.u32 s22, $0xA;
	s24 =	sshll.u32 s22, $0x7  }
0x2e: {  	s25 =	simm.s32 $0x0;
	s23 =	sand.u32 $0x2000, s23;
	s24 =	sand.u32 $0x380, s24  }
0x2f: {  	s30 =	sand.u32 $0x40, s25;
	s23 =	sor.u32 s23, s24  }
0x30: {  	s25 =	sand.u32 $0x1C00, s25;
	s24 =	sor.u32 s30, s23  }
0x31: {  	s25 =	sor.u32 s25, s24  }
0x32: {  	v9 =	vld [tilespmem:s25+$0x40B0]  }
0x33: {  	v11 =	vld [tilespmem:s25+$0x40A0]  }
0x34: {  	v8 =	vld [tilespmem:s25+$0x4080]  }
0x35: {  	v4 =	vld [tilespmem:s25+$0x4090]  }
0x36: {  	s31 =	simm.s32 $0x40;
	v6 =	vld [tilespmem:s25+$0x90]  }
0x37: {  	s26 =	simm.s32 $0x200;
	s24 =	sand.u32 $0x40, s31;
	v10 =	vld [tilespmem:s25+$0x80]  }
0x38: {  	s28 =	sand.u32 $0x1C00, s26;
	s24 =	sor.u32 s24, s23;
	v12 =	vld [tilespmem:s25+$0xB0]  }
0x39: {  	v13 =	vld [tilespmem:s25+$0xA0];
	s24 =	sor.u32 s28, s24  }
0x3a: {  	v7 =	vld [tilespmem:s24+$0x40B0]  }
0x3b: {  	v5 =	vld [tilespmem:s24+$0x40A0];
	v14 =	vadd.f32 v4, v6  }
0x3c: {  	v4 =	vld [tilespmem:s24+$0x4080];
	v15 =	vadd.f32 v8, v10  }
0x3d: {  	v6 =	vld [tilespmem:s24+$0x4090];
	v10 =	vadd.f32 v9, v12;
	[tilespmem:s25+$0x90] =	vst v14  }
0x3e: {  	s29 =	simm.s32 $0x80;
	s28 =	simm.s32 $0x4;
	v9 =	vadd.f32 v11, v13;
	v8 =	vld [tilespmem:s24+$0x90];
	[tilespmem:s25+$0x80] =	vst v15  }
.LBB2_3:
0x3f: {  	s30 =	sand.u32 $0x40, s29;
	s28 =	sadd.s32 $0x4, s28;
	v11 =	vld [tilespmem:s24+$0x80];
	s26 =	sadd.s32 $0x200, s26;
	[tilespmem:s25+$0xB0] =	vst v10;
	v10 =	vmov v7  }
0x40: {  	s31 =	sand.u32 $0x1C00, s26;
	s30 =	sor.u32 s30, s23;
	p0 =	slt.u32 s28, $0x3C;
	v12 =	vld [tilespmem:s24+$0xB0];
	[tilespmem:s25+$0xA0] =	vst v9;
	v9 =	vmov v5  }
0x41: {  	s25 =	smov.u32 s24;
	v13 =	vld [tilespmem:s24+$0xA0];
	s24 =	sor.u32 s31, s30  }
.Ltmp0:
0x42: {  	v7 =	vld [tilespmem:s24+$0x40B0];
	(pc) =	sbr.rel @p0 .LBB2_3-.Ltmp0, $4  }
0x43: {  	v5 =	vld [tilespmem:s24+$0x40A0];
	v8 =	vadd.f32 v6, v8  }
0x44: {  	v11 =	vadd.f32 v4, v11;
	v4 =	vld [tilespmem:s24+$0x4080]  }
0x45: {  	v6 =	vld [tilespmem:s24+$0x4090];
	[tilespmem:s25+$0x90] =	vst v8;
	v10 =	vadd.f32 v10, v12  }
0x46: {  	s29 =	sadd.s32 $0x40, s29;
	v8 =	vld [tilespmem:s24+$0x90];
	[tilespmem:s25+$0x80] =	vst v11;
	v9 =	vadd.f32 v9, v13  }
0x47: {  	v11 =	vld [tilespmem:s24+$0x80];
	[tilespmem:s25+$0xB0] =	vst v10  }
0x48: {  	v10 =	vld [tilespmem:s24+$0xB0];
	[tilespmem:s25+$0xA0] =	vst v9  }
0x49: {  	v9 =	vld [tilespmem:s24+$0xA0]  }
0x4a: {  	s22 =	sadd.s32 $0x1, s22  }
0x4b: {  	p0 =	sne.s32 s22, $0x10;
	v6 =	vadd.f32 v6, v8  }
.Ltmp1:
0x4c: {  	v4 =	vadd.f32 v4, v11;
	(pc) =	sbr.rel @p0 .LBB2_2-.Ltmp1, $4  }
0x4d: {  	[tilespmem:s24+$0x90] =	vst v6;
	v63 =	vadd.f32 v7, v10  }
0x4e: {  	[tilespmem:s24+$0x80] =	vst v4;
	v4 =	vadd.f32 v5, v9  }
0x4f: {  	[tilespmem:s24+$0xB0] =	vst v63  }
0x50: {  	[tilespmem:s24+$0xA0] =	vst v4  }
0x51: {  	s21 =	sadd.s32 $0x1, s21  }
0x52: {  	p0 =	sne.s32 s21, s9  }
.Ltmp2:
0x53: {  	_ = 	snop;
	(pc) =	sbr.rel @p0 .LBB2_1-.Ltmp2, $4  }
0x54: {  	[hbm4b:s8+s3] =	stream.linear.scatter [tilespmem:s10], [sflag:$0x2], $0x4000, $0x38;
	[tilespmem:$0x8080] =	vst v63  }
0x55: {  	_ =	swait.ge [sflag:s20], $0x4000  }
0x56: {  	[sflag:s20] =	ssyncset.done $0x0  }
0x57: {  	[sflag:s20] =	ssyncadd.s32 $0xFFFFC000  }
0x58: {  	_ =	sfence.sel $0x180000  }
0x59: {  	[bflag:$0x0] =	sbarrier.arrive $0xFFFF  }
0x5a: {  	p0 =	sne.s32 s2, $0x0;
	_ =	strace $0x90000047  }
0x5b: {  	s0 =	sadd.s32 @!p0 $0x100000, s0;
	[bflag:$0x2] =	sbarrier.arrive $0xFFFF  }
0x5c: {  	[sflag:s0] =	ssyncadd.tile.s32 @!p0 $0x1;
	_ =	shalt  }
.Lfunc_end2:
_tile_overlayer_lowered:
.L_overlay_start_2:
0x5d: {  	(tag) =	ssettag $0x2  }
0x5e: {  	s0 =	rddreg [dreg:$0x0];
	s2 =	stileid.u32  }
0x5f: {  	s1 =	rddreg [dreg:$0x1];
	p0 =	sne.s32 s2, $0x0  }
0x60: {  	s3 =	rddreg [dreg:$0x2];
	[bflag:$0x3] =	sbarrier.arrive $0xFFFF;
	s2 =	simm.s32 @!p0 $0x1C02  }
0x61: {  	[timem:s3], [sflag:s2] =	dma.local @!p0 [hbm:s0], s1  }
0x62: {  	s0 =	simm.s32 @!p0 $0x2  }
0x63: {  	_ =	swait.ge @!p0 [sflag:s0], s1  }
0x64: {  	s1 =	ssub.s32 @!p0 $0x0, s1;
	[sflag:s0] =	ssyncset.done @!p0 $0x0  }
0x65: {  	[sflag:s0] =	ssyncadd.s32 @!p0 s1  }
0x66: {  	[bflag:$0x3] =	sbarrier.arrive $0xFFFF  }
0x67: {  	_ =	shalt  }

</sc_bundles>
